<compile_context>
chip_gen: v7x
topology: tpu7x:2x2x1
jax: 0.10.2.dev20260603
libtpu: 0.0.44.dev20260713+nightly
codegen_flags: <defaults>
</compile_context>

<pallas_src>
import functools

import jax
import jax.numpy as jnp
from jax import lax
from jax.experimental import pallas as pl
from jax.experimental.pallas import tpu as pltpu
from jax.experimental.pallas import tpu_sc as plsc

_TV = 4096
_LOG2E = 1.4426950408889634


def _sc_worker_geometry(Bsz):
    info = plsc.get_sparse_core_info()
    NC, NS = info.num_cores, info.num_subcores
    NW = NC * NS
    assert Bsz % (8 * NW) == 0
    return NC, Bsz // NW


def _sc_kernel(out_type, scratch_types):
    mesh = plsc.VectorSubcoreMesh(core_axis_name="c", subcore_axis_name="s")
    return functools.partial(
        pl.kernel,
        mesh=mesh,
        compiler_params=pltpu.CompilerParams(use_tc_tiling_on_sc=False),
        out_type=out_type,
        scratch_types=scratch_types,
    )


def _make_sc_gather_x(V, E, Bsz):
    NC, bpw = _sc_worker_geometry(Bsz)

    @_sc_kernel(
        out_type=[jax.ShapeDtypeStruct((Bsz, E), jnp.float32)],
        scratch_types=[
            pltpu.VMEM((bpw,), jnp.int32),
            pltpu.VMEM((bpw, E), jnp.float32),
            pltpu.SemaphoreType.DMA,
        ],
    )
    def sc_gather_x(front_hbm, mid_hbm, x_hbm, mid_v, xrows_v, sem):
        wid = lax.axis_index("s") * NC + lax.axis_index("c")
        base = wid * bpw
        pltpu.sync_copy(mid_hbm.at[pl.ds(base, bpw)], mid_v)
        pltpu.async_copy(front_hbm.at[mid_v], xrows_v, sem).wait()
        pltpu.sync_copy(xrows_v, x_hbm.at[pl.ds(base, bpw)])

    return sc_gather_x


def _make_sc_gather_t(V, E, Bsz):
    NC, bpw = _sc_worker_geometry(Bsz)

    @_sc_kernel(
        out_type=[
            jax.ShapeDtypeStruct((Bsz, E), jnp.float32),
            jax.ShapeDtypeStruct((Bsz,), jnp.float32),
        ],
        scratch_types=[
            pltpu.VMEM((bpw,), jnp.int32),
            pltpu.VMEM((bpw, E), jnp.float32),
            pltpu.VMEM((bpw,), jnp.float32),
            pltpu.SemaphoreType.DMA,
        ],
    )
    def sc_gather_t(after_hbm, bias_hbm, tgt_hbm, at_hbm, bt_hbm,
                    tgt_v, arows_v, brow_v, sem):
        wid = lax.axis_index("s") * NC + lax.axis_index("c")
        base = wid * bpw
        pltpu.sync_copy(tgt_hbm.at[pl.ds(base, bpw)], tgt_v)
        c1 = pltpu.async_copy(after_hbm.at[tgt_v], arows_v, sem)
        c2 = pltpu.async_copy(bias_hbm.at[tgt_v], brow_v, sem)
        c1.wait()
        c2.wait()
        pltpu.sync_copy(arows_v, at_hbm.at[pl.ds(base, bpw)])
        pltpu.sync_copy(brow_v, bt_hbm.at[pl.ds(base, bpw)])

    return sc_gather_t


def _tc_body(x_ref, ab_ref, b2_ref, out_ref, acc_ref):
    v = pl.program_id(0)
    nt = pl.num_programs(0)

    l2 = lax.dot_general(
        x_ref[...], ab_ref[...].astype(jnp.bfloat16), (((1,), (1,)), ((), ())),
        preferred_element_type=jnp.float32,
    )
    e = jnp.exp2(l2.astype(jnp.bfloat16) + b2_ref[...])
    r = e[:, 0:128]
    for c in range(128, _TV, 128):
        r = r + e[:, c:c + 128]
    r = r.astype(jnp.float32)

    @pl.when(v == 0)
    def _init():
        acc_ref[...] = r

    @pl.when(v > 0)
    def _acc():
        acc_ref[...] += r

    @pl.when(v == nt - 1)
    def _final():
        out_ref[...] = jnp.sum(acc_ref[...], axis=1, keepdims=True)


def _tc_final(s_ref, x_ref, at_ref, bt_ref, out_ref):
    tdot = jnp.sum(x_ref[...].astype(jnp.float32)
                   * at_ref[...].astype(jnp.float32),
                   axis=1, keepdims=True) * jnp.float32(1.0 / _LOG2E) \
        + bt_ref[...]
    out_ref[...] = jnp.log(s_ref[...]) - tdot


def _softmax_loss_sum(x2, after, bias, interpret=False):
    Bsz, E = x2.shape
    V = after.shape[0]
    nt = (V + _TV - 1) // _TV
    Vpad = nt * _TV

    b2 = jnp.pad(bias * _LOG2E, (0, Vpad - V),
                 constant_values=-1e30).astype(jnp.bfloat16).reshape(1, Vpad)

    return pl.pallas_call(
        _tc_body,
        grid=(nt,),
        in_specs=[
            pl.BlockSpec((Bsz, E), lambda v: (0, 0)),
            pl.BlockSpec((_TV, E), lambda v: (v, 0)),
            pl.BlockSpec((1, _TV), lambda v: (0, v)),
        ],
        out_specs=pl.BlockSpec((Bsz, 1), lambda v: (0, 0)),
        out_shape=jax.ShapeDtypeStruct((Bsz, 1), jnp.float32),
        scratch_shapes=[
            pltpu.VMEM((Bsz, 128), jnp.float32),
        ],
        interpret=interpret,
    )(x2, after, b2)


def _combine(s, x2, at, bt, interpret=False):
    Bsz = s.shape[0]
    out = pl.pallas_call(
        _tc_final,
        out_shape=jax.ShapeDtypeStruct((Bsz, 1), jnp.float32),
        interpret=interpret,
    )(s, x2, at, bt.reshape(Bsz, 1))
    return out[:, 0]


def _softmax_loss(x, at, bt, after, bias, interpret=False):
    x2 = (x * _LOG2E).astype(jnp.bfloat16)
    s = _softmax_loss_sum(x2, after, bias, interpret=interpret)
    return _combine(s, x2, at, bt, interpret=interpret)


def kernel(movie_id, target_movie_id, front_item_embeddings,
           after_item_embeddings, after_item_bias):
    V, E = front_item_embeddings.shape
    Bsz = movie_id.shape[0]
    mid = movie_id[:, 0].astype(jnp.int32)
    tgt = target_movie_id.astype(jnp.int32)

    (x,) = _make_sc_gather_x(V, E, Bsz)(front_item_embeddings, mid)
    x2 = (x * _LOG2E).astype(jnp.bfloat16)
    s = _softmax_loss_sum(x2, after_item_embeddings, after_item_bias)
    at, bt = _make_sc_gather_t(V, E, Bsz)(after_item_embeddings,
                                          after_item_bias, tgt)
    return _combine(s, x2, at, bt)

# --- scband reference (transcript-rebuilt; emitter-appended) ---
"""Pipeline reference for scband-item2-vec-layer-4861902979675 (READ-ONLY COPY).

The authoritative reference and input builder live on the scoring server;
editing this copy changes nothing except your own understanding.
"""

import jax, jax.numpy as jnp
import numpy as np

B = 4096
VOCAB = 100000
EMB = 32

def setup_inputs(seed: int = 0) -> dict:
    key = jax.random.key(seed)
    k1, k2, k3, k4, k5 = jax.random.split(key, 5)
    movie_id = jax.random.randint(k1, (B, 1), 0, VOCAB, dtype=jnp.int64 if jax.config.jax_enable_x64 else jnp.int32)
    target_movie_id = jax.random.randint(k2, (B,), 0, VOCAB, dtype=jnp.int64 if jax.config.jax_enable_x64 else jnp.int32)
    front_item_embeddings = jax.random.normal(k3, (VOCAB, EMB), dtype=jnp.float32) * 0.05
    after_item_embeddings = jax.random.normal(k4, (VOCAB, EMB), dtype=jnp.float32) * 0.05
    after_item_bias = jax.random.normal(k5, (VOCAB,), dtype=jnp.float32) * 0.01
    return {
        "movie_id": movie_id,
        "target_movie_id": target_movie_id,
        "front_item_embeddings": front_item_embeddings,
        "after_item_embeddings": after_item_embeddings,
        "after_item_bias": after_item_bias,
    }

def reference(movie_id, target_movie_id, front_item_embeddings, after_item_embeddings, after_item_bias):
    # tf.nn.embedding_lookup + squeeze(axis=1): [B,1,E] -> [B,E]
    movie_id_tensor = jnp.squeeze(jnp.take(front_item_embeddings, movie_id, axis=0), axis=1)
    # eval path: full softmax cross entropy against one-hot labels
    logits = jnp.matmul(movie_id_tensor, after_item_embeddings.T) + after_item_bias
    log_probs = jax.nn.log_softmax(logits, axis=-1)
    # one_hot(target) dot log_probs == gather at target index
    loss = -jnp.take_along_axis(log_probs, target_movie_id[:, None], axis=1)[:, 0]
    return loss

if __name__ == "__main__":
    import jax
    _d = setup_inputs()
    print(jax.jit(kernel)(*tuple(_d.values())))

</pallas_src>

<mosaic_0001>
#map = affine_map<(d0, d1) -> (0, 0)>
#map1 = affine_map<(d0, d1) -> (0)>
module attributes {stable_mosaic.version = 14 : i64} {
  func.func @sc_gather_x(%arg0: i32, %arg1: i32, %arg2: memref<100000x32xf32, #tpu.memory_space<hbm>>, %arg3: memref<4096xi32, #tpu.memory_space<hbm>>, %arg4: memref<4096x32xf32, #tpu.memory_space<hbm>>, %arg5: memref<128xi32, #tpu.memory_space<vmem>>, %arg6: memref<128x32xf32, #tpu.memory_space<vmem>>, %arg7: memref<!tpu.dma_semaphore, #tpu.memory_space<semaphore_mem>>) attributes {dimension_semantics = [#tpu.dimension_semantics<core_parallel>, #tpu.dimension_semantics<subcore_parallel>], iteration_bounds = array<i64: 2, 16>, scalar_prefetch = 0 : i64, scratch_operands = 3 : i64, tpu.core_type = #tpu.core_type<sc_vector_subcore>, window_params = [{transform_indices = #map}, {transform_indices = #map1}, {transform_indices = #map}]} {
    %mul3A = arith.constant 2 : i32
    %mul3A_0 = arith.muli %arg1, %mul3A : i32
    %add3A = arith.addi %mul3A_0, %arg0 : i32
    %mul3A_1 = arith.constant 128 : i32
    %mul3A_2 = arith.muli %add3A, %mul3A_1 : i32
    "tpu.region"() ({
      %run_scoped3A = tpu.sem_alloc : memref<!tpu.dma_semaphore, #tpu.memory_space<semaphore_mem>>
      %dma_start3A_7 = tpu.memref_slice %arg3[%mul3A_2] : memref<4096xi32, #tpu.memory_space<hbm>> -> memref<128xi32, #tpu.memory_space<hbm>>
      %dma_start3A_8 = tpu.memref_slice %arg3[%mul3A_2] : memref<4096xi32, #tpu.memory_space<hbm>> -> memref<128xi32, #tpu.memory_space<hbm>>
      tpu.enqueue_dma source(%dma_start3A_8 : memref<128xi32, #tpu.memory_space<hbm>>) target(%arg5 : memref<128xi32, #tpu.memory_space<vmem>>) target_semaphore(%run_scoped3A : memref<!tpu.dma_semaphore, #tpu.memory_space<semaphore_mem>>)
      %dma_wait3A_9 = tpu.memref_slice %arg3[%mul3A_2] : memref<4096xi32, #tpu.memory_space<hbm>> -> memref<128xi32, #tpu.memory_space<hbm>>
      %dma_wait3A_10 = tpu.memref_slice %arg3[%mul3A_2] : memref<4096xi32, #tpu.memory_space<hbm>> -> memref<128xi32, #tpu.memory_space<hbm>>
      tpu.wait_dma2 semaphore(%run_scoped3A : memref<!tpu.dma_semaphore, #tpu.memory_space<semaphore_mem>>) src(%dma_wait3A_10 : memref<128xi32, #tpu.memory_space<hbm>>) dst(%arg5 : memref<128xi32, #tpu.memory_space<vmem>>)
      tpu.yield
    }) : () -> ()
    %dma_start3A = arith.constant 0 : i32
    %dma_start3A_3 = arith.constant 0 : i32
    %dma_start3A_4 = tpu.memref_slice %arg2[%dma_start3A, %dma_start3A_3] : memref<100000x32xf32, #tpu.memory_space<hbm>> -> memref<100000x32xf32, #tpu.memory_space<hbm>>
    tpu.enqueue_indirect_dma source(%dma_start3A_4 : memref<100000x32xf32, #tpu.memory_space<hbm>>) target(%arg6 : memref<128x32xf32, #tpu.memory_space<vmem>>) offsets(%arg5 : memref<128xi32, #tpu.memory_space<vmem>>) semaphore(%arg7 : memref<!tpu.dma_semaphore, #tpu.memory_space<semaphore_mem>>)
    %dma_wait3A = arith.constant 0 : i32
    %dma_wait3A_5 = arith.constant 0 : i32
    %dma_wait3A_6 = tpu.memref_slice %arg2[%dma_wait3A, %dma_wait3A_5] : memref<100000x32xf32, #tpu.memory_space<hbm>> -> memref<100000x32xf32, #tpu.memory_space<hbm>>
    tpu.wait_indirect_dma semaphore(%arg7 : memref<!tpu.dma_semaphore, #tpu.memory_space<semaphore_mem>>) src(%dma_wait3A_6 : memref<100000x32xf32, #tpu.memory_space<hbm>>) dst(%arg6 : memref<128x32xf32, #tpu.memory_space<vmem>>)
    "tpu.region"() ({
      %run_scoped3A = tpu.sem_alloc : memref<!tpu.dma_semaphore, #tpu.memory_space<semaphore_mem>>
      %dma_start3A_7 = arith.constant 0 : i32
      %dma_start3A_8 = tpu.memref_slice %arg4[%mul3A_2, %dma_start3A_7] : memref<4096x32xf32, #tpu.memory_space<hbm>> -> memref<128x32xf32, #tpu.memory_space<hbm>>
      %dma_start3A_9 = arith.constant 0 : i32
      %dma_start3A_10 = tpu.memref_slice %arg4[%mul3A_2, %dma_start3A_9] : memref<4096x32xf32, #tpu.memory_space<hbm>> -> memref<128x32xf32, #tpu.memory_space<hbm>>
      tpu.enqueue_dma source(%arg6 : memref<128x32xf32, #tpu.memory_space<vmem>>) target(%dma_start3A_10 : memref<128x32xf32, #tpu.memory_space<hbm>>) target_semaphore(%run_scoped3A : memref<!tpu.dma_semaphore, #tpu.memory_space<semaphore_mem>>)
      %dma_wait3A_11 = arith.constant 0 : i32
      %dma_wait3A_12 = tpu.memref_slice %arg4[%mul3A_2, %dma_wait3A_11] : memref<4096x32xf32, #tpu.memory_space<hbm>> -> memref<128x32xf32, #tpu.memory_space<hbm>>
      %dma_wait3A_13 = arith.constant 0 : i32
      %dma_wait3A_14 = tpu.memref_slice %arg4[%mul3A_2, %dma_wait3A_13] : memref<4096x32xf32, #tpu.memory_space<hbm>> -> memref<128x32xf32, #tpu.memory_space<hbm>>
      tpu.wait_dma2 semaphore(%run_scoped3A : memref<!tpu.dma_semaphore, #tpu.memory_space<semaphore_mem>>) src(%arg6 : memref<128x32xf32, #tpu.memory_space<vmem>>) dst(%dma_wait3A_14 : memref<128x32xf32, #tpu.memory_space<hbm>>)
      tpu.yield
    }) : () -> ()
    return
  }
}

#map = affine_map<(d0, d1) -> (0, 0)>
#map1 = affine_map<(d0, d1) -> (0)>
module attributes {stable_mosaic.version = 14 : i64} {
  func.func @sc_gather_t(%arg0: i32, %arg1: i32, %arg2: memref<100000x32xf32, #tpu.memory_space<hbm>>, %arg3: memref<100000xf32, #tpu.memory_space<hbm>>, %arg4: memref<4096xi32, #tpu.memory_space<hbm>>, %arg5: memref<4096x32xf32, #tpu.memory_space<hbm>>, %arg6: memref<4096xf32, #tpu.memory_space<hbm>>, %arg7: memref<128xi32, #tpu.memory_space<vmem>>, %arg8: memref<128x32xf32, #tpu.memory_space<vmem>>, %arg9: memref<128xf32, #tpu.memory_space<vmem>>, %arg10: memref<!tpu.dma_semaphore, #tpu.memory_space<semaphore_mem>>) attributes {dimension_semantics = [#tpu.dimension_semantics<core_parallel>, #tpu.dimension_semantics<subcore_parallel>], iteration_bounds = array<i64: 2, 16>, scalar_prefetch = 0 : i64, scratch_operands = 4 : i64, tpu.core_type = #tpu.core_type<sc_vector_subcore>, window_params = [{transform_indices = #map}, {transform_indices = #map1}, {transform_indices = #map1}, {transform_indices = #map}, {transform_indices = #map1}]} {
    %mul3A = arith.constant 2 : i32
    %mul3A_0 = arith.muli %arg1, %mul3A : i32
    %add3A = arith.addi %mul3A_0, %arg0 : i32
    %mul3A_1 = arith.constant 128 : i32
    %mul3A_2 = arith.muli %add3A, %mul3A_1 : i32
    "tpu.region"() ({
      %run_scoped3A = tpu.sem_alloc : memref<!tpu.dma_semaphore, #tpu.memory_space<semaphore_mem>>
      %dma_start3A_11 = tpu.memref_slice %arg4[%mul3A_2] : memref<4096xi32, #tpu.memory_space<hbm>> -> memref<128xi32, #tpu.memory_space<hbm>>
      %dma_start3A_12 = tpu.memref_slice %arg4[%mul3A_2] : memref<4096xi32, #tpu.memory_space<hbm>> -> memref<128xi32, #tpu.memory_space<hbm>>
      tpu.enqueue_dma source(%dma_start3A_12 : memref<128xi32, #tpu.memory_space<hbm>>) target(%arg7 : memref<128xi32, #tpu.memory_space<vmem>>) target_semaphore(%run_scoped3A : memref<!tpu.dma_semaphore, #tpu.memory_space<semaphore_mem>>)
      %dma_wait3A_13 = tpu.memref_slice %arg4[%mul3A_2] : memref<4096xi32, #tpu.memory_space<hbm>> -> memref<128xi32, #tpu.memory_space<hbm>>
      %dma_wait3A_14 = tpu.memref_slice %arg4[%mul3A_2] : memref<4096xi32, #tpu.memory_space<hbm>> -> memref<128xi32, #tpu.memory_space<hbm>>
      tpu.wait_dma2 semaphore(%run_scoped3A : memref<!tpu.dma_semaphore, #tpu.memory_space<semaphore_mem>>) src(%dma_wait3A_14 : memref<128xi32, #tpu.memory_space<hbm>>) dst(%arg7 : memref<128xi32, #tpu.memory_space<vmem>>)
      tpu.yield
    }) : () -> ()
    %dma_start3A = arith.constant 0 : i32
    %dma_start3A_3 = arith.constant 0 : i32
    %dma_start3A_4 = tpu.memref_slice %arg2[%dma_start3A, %dma_start3A_3] : memref<100000x32xf32, #tpu.memory_space<hbm>> -> memref<100000x32xf32, #tpu.memory_space<hbm>>
    tpu.enqueue_indirect_dma source(%dma_start3A_4 : memref<100000x32xf32, #tpu.memory_space<hbm>>) target(%arg8 : memref<128x32xf32, #tpu.memory_space<vmem>>) offsets(%arg7 : memref<128xi32, #tpu.memory_space<vmem>>) semaphore(%arg10 : memref<!tpu.dma_semaphore, #tpu.memory_space<semaphore_mem>>)
    %dma_start3A_5 = arith.constant 0 : i32
    %dma_start3A_6 = tpu.memref_slice %arg3[%dma_start3A_5] : memref<100000xf32, #tpu.memory_space<hbm>> -> memref<100000xf32, #tpu.memory_space<hbm>>
    tpu.enqueue_indirect_dma source(%dma_start3A_6 : memref<100000xf32, #tpu.memory_space<hbm>>) target(%arg9 : memref<128xf32, #tpu.memory_space<vmem>>) offsets(%arg7 : memref<128xi32, #tpu.memory_space<vmem>>) semaphore(%arg10 : memref<!tpu.dma_semaphore, #tpu.memory_space<semaphore_mem>>)
    %dma_wait3A = arith.constant 0 : i32
    %dma_wait3A_7 = arith.constant 0 : i32
    %dma_wait3A_8 = tpu.memref_slice %arg2[%dma_wait3A, %dma_wait3A_7] : memref<100000x32xf32, #tpu.memory_space<hbm>> -> memref<100000x32xf32, #tpu.memory_space<hbm>>
    tpu.wait_indirect_dma semaphore(%arg10 : memref<!tpu.dma_semaphore, #tpu.memory_space<semaphore_mem>>) src(%dma_wait3A_8 : memref<100000x32xf32, #tpu.memory_space<hbm>>) dst(%arg8 : memref<128x32xf32, #tpu.memory_space<vmem>>)
    %dma_wait3A_9 = arith.constant 0 : i32
    %dma_wait3A_10 = tpu.memref_slice %arg3[%dma_wait3A_9] : memref<100000xf32, #tpu.memory_space<hbm>> -> memref<100000xf32, #tpu.memory_space<hbm>>
    tpu.wait_indirect_dma semaphore(%arg10 : memref<!tpu.dma_semaphore, #tpu.memory_space<semaphore_mem>>) src(%dma_wait3A_10 : memref<100000xf32, #tpu.memory_space<hbm>>) dst(%arg9 : memref<128xf32, #tpu.memory_space<vmem>>)
    "tpu.region"() ({
      %run_scoped3A = tpu.sem_alloc : memref<!tpu.dma_semaphore, #tpu.memory_space<semaphore_mem>>
      %dma_start3A_11 = arith.constant 0 : i32
      %dma_start3A_12 = tpu.memref_slice %arg5[%mul3A_2, %dma_start3A_11] : memref<4096x32xf32, #tpu.memory_space<hbm>> -> memref<128x32xf32, #tpu.memory_space<hbm>>
      %dma_start3A_13 = arith.constant 0 : i32
      %dma_start3A_14 = tpu.memref_slice %arg5[%mul3A_2, %dma_start3A_13] : memref<4096x32xf32, #tpu.memory_space<hbm>> -> memref<128x32xf32, #tpu.memory_space<hbm>>
      tpu.enqueue_dma source(%arg8 : memref<128x32xf32, #tpu.memory_space<vmem>>) target(%dma_start3A_14 : memref<128x32xf32, #tpu.memory_space<hbm>>) target_semaphore(%run_scoped3A : memref<!tpu.dma_semaphore, #tpu.memory_space<semaphore_mem>>)
      %dma_wait3A_15 = arith.constant 0 : i32
      %dma_wait3A_16 = tpu.memref_slice %arg5[%mul3A_2, %dma_wait3A_15] : memref<4096x32xf32, #tpu.memory_space<hbm>> -> memref<128x32xf32, #tpu.memory_space<hbm>>
      %dma_wait3A_17 = arith.constant 0 : i32
      %dma_wait3A_18 = tpu.memref_slice %arg5[%mul3A_2, %dma_wait3A_17] : memref<4096x32xf32, #tpu.memory_space<hbm>> -> memref<128x32xf32, #tpu.memory_space<hbm>>
      tpu.wait_dma2 semaphore(%run_scoped3A : memref<!tpu.dma_semaphore, #tpu.memory_space<semaphore_mem>>) src(%arg8 : memref<128x32xf32, #tpu.memory_space<vmem>>) dst(%dma_wait3A_18 : memref<128x32xf32, #tpu.memory_space<hbm>>)
      tpu.yield
    }) : () -> ()
    "tpu.region"() ({
      %run_scoped3A = tpu.sem_alloc : memref<!tpu.dma_semaphore, #tpu.memory_space<semaphore_mem>>
      %dma_start3A_11 = tpu.memref_slice %arg6[%mul3A_2] : memref<4096xf32, #tpu.memory_space<hbm>> -> memref<128xf32, #tpu.memory_space<hbm>>
      %dma_start3A_12 = tpu.memref_slice %arg6[%mul3A_2] : memref<4096xf32, #tpu.memory_space<hbm>> -> memref<128xf32, #tpu.memory_space<hbm>>
      tpu.enqueue_dma source(%arg9 : memref<128xf32, #tpu.memory_space<vmem>>) target(%dma_start3A_12 : memref<128xf32, #tpu.memory_space<hbm>>) target_semaphore(%run_scoped3A : memref<!tpu.dma_semaphore, #tpu.memory_space<semaphore_mem>>)
      %dma_wait3A_13 = tpu.memref_slice %arg6[%mul3A_2] : memref<4096xf32, #tpu.memory_space<hbm>> -> memref<128xf32, #tpu.memory_space<hbm>>
      %dma_wait3A_14 = tpu.memref_slice %arg6[%mul3A_2] : memref<4096xf32, #tpu.memory_space<hbm>> -> memref<128xf32, #tpu.memory_space<hbm>>
      tpu.wait_dma2 semaphore(%run_scoped3A : memref<!tpu.dma_semaphore, #tpu.memory_space<semaphore_mem>>) src(%arg9 : memref<128xf32, #tpu.memory_space<vmem>>) dst(%dma_wait3A_14 : memref<128xf32, #tpu.memory_space<hbm>>)
      tpu.yield
    }) : () -> ()
    return
  }
}

module attributes {stable_mosaic.version = 14 : i64} {
  func.func @_tc_final(%arg0: memref<4096x1xf32, #tpu.memory_space<vmem>>, %arg1: memref<4096x32xbf16, #tpu.memory_space<vmem>>, %arg2: memref<4096x32xf32, #tpu.memory_space<vmem>>, %arg3: memref<4096x1xf32, #tpu.memory_space<vmem>>, %arg4: memref<4096x1xf32, #tpu.memory_space<vmem>>) attributes {dimension_semantics = [], scalar_prefetch = 0 : i64, scratch_operands = 0 : i64, tpu.core_type = #tpu.core_type<tc>} {
    %get3A = arith.constant 0 : index
    %get3A_0 = arith.constant 0 : index
    %get3A_1 = vector.load %arg1[%get3A, %get3A_0] : memref<4096x32xbf16, #tpu.memory_space<vmem>>, vector<4096x32xbf16>
    %convert_element_type3A = arith.extf %get3A_1 : vector<4096x32xbf16> to vector<4096x32xf32>
    %get3A_2 = arith.constant 0 : index
    %get3A_3 = arith.constant 0 : index
    %get3A_4 = vector.load %arg2[%get3A_2, %get3A_3] : memref<4096x32xf32, #tpu.memory_space<vmem>>, vector<4096x32xf32>
    %mul3A = arith.mulf %convert_element_type3A, %get3A_4 : vector<4096x32xf32>
    %reduce_sum3A = arith.constant dense<0.000000e+00> : vector<4096xf32>
    %reduce_sum3A_5 = vector.multi_reduction <add>, %mul3A, %reduce_sum3A [1] : vector<4096x32xf32> to vector<4096xf32>
    %broadcast_in_dim3A = vector.shape_cast %reduce_sum3A_5 : vector<4096xf32> to vector<4096x1xf32>
    %mul3A_6 = arith.constant 0.693147182 : f32
    %mul3A_7 = vector.broadcast %mul3A_6 : f32 to vector<4096x1xf32>
    %mul3A_8 = arith.mulf %broadcast_in_dim3A, %mul3A_7 : vector<4096x1xf32>
    %get3A_9 = arith.constant 0 : index
    %get3A_10 = arith.constant 0 : index
    %get3A_11 = vector.load %arg3[%get3A_9, %get3A_10] : memref<4096x1xf32, #tpu.memory_space<vmem>>, vector<4096x1xf32>
    %add3A = arith.addf %mul3A_8, %get3A_11 : vector<4096x1xf32>
    %get3A_12 = arith.constant 0 : index
    %get3A_13 = arith.constant 0 : index
    %get3A_14 = vector.load %arg0[%get3A_12, %get3A_13] : memref<4096x1xf32, #tpu.memory_space<vmem>>, vector<4096x1xf32>
    %log3A = math.log %get3A_14 : vector<4096x1xf32>
    %sub3A = arith.subf %log3A, %add3A : vector<4096x1xf32>
    %swap3A = arith.constant 0 : index
    %swap3A_15 = arith.constant 0 : index
    %swap3A_16 = vector.load %arg4[%swap3A, %swap3A_15] : memref<4096x1xf32, #tpu.memory_space<vmem>>, vector<4096x1xf32>
    tpu.vector_store %arg4[%swap3A, %swap3A_15], %sub3A {strides = array<i32>} : memref<4096x1xf32, #tpu.memory_space<vmem>>, vector<4096x1xf32>,
    return
  }
}

module attributes {stable_mosaic.version = 14 : i64} {
  func.func @_tc_body(%arg0: i32, %arg1: memref<4096x32xbf16, #tpu.memory_space<vmem>>, %arg2: memref<4096x32xf32, #tpu.memory_space<vmem>>, %arg3: memref<1x4096xbf16, #tpu.memory_space<vmem>>, %arg4: memref<4096x1xf32, #tpu.memory_space<vmem>>, %arg5: memref<4096x128xf32, #tpu.memory_space<vmem>>) attributes {dimension_semantics = [#tpu.dimension_semantics<arbitrary>], iteration_bounds = array<i64: 25>, scalar_prefetch = 0 : i64, scratch_operands = 1 : i64, tpu.core_type = #tpu.core_type<tc>, window_params = [{pipeline_mode = #tpu.pipeline_mode<synchronous>, transform_indices = @transform_0, window_bounds = array<i64: 4096, 32>}, {transform_indices = @transform_1, window_bounds = array<i64: 4096, 32>}, {transform_indices = @transform_2, window_bounds = array<i64: 1, 4096>}, {pipeline_mode = #tpu.pipeline_mode<synchronous>, transform_indices = @transform_3, window_bounds = array<i64: 4096, 1>}]} {
    %get3A = arith.constant 0 : index
    %get3A_0 = arith.constant 0 : index
    %get3A_1 = vector.load %arg1[%get3A, %get3A_0] : memref<4096x32xbf16, #tpu.memory_space<vmem>>, vector<4096x32xbf16>
    %get3A_2 = arith.constant 0 : index
    %get3A_3 = arith.constant 0 : index
    %get3A_4 = vector.load %arg2[%get3A_2, %get3A_3] : memref<4096x32xf32, #tpu.memory_space<vmem>>, vector<4096x32xf32>
    %convert_element_type3A = arith.truncf %get3A_4 : vector<4096x32xf32> to vector<4096x32xbf16>
    %dot_general3A = arith.constant dense<0.000000e+00> : vector<4096x4096xf32>
    %dot_general3A_5 = tpu.matmul %get3A_1, %convert_element_type3A, %dot_general3A {dimension_numbers = #tpu.dot_dimension_numbers<[1], [1], [0], [0], [0, 0, 1, 0], [], []>, transpose_lhs_hint = false} : vector<4096x32xbf16>, vector<4096x32xbf16>, vector<4096x4096xf32> -> vector<4096x4096xf32>
    %convert_element_type3A_6 = arith.truncf %dot_general3A_5 : vector<4096x4096xf32> to vector<4096x4096xbf16>
    %get3A_7 = arith.constant 0 : index
    %get3A_8 = arith.constant 0 : index
    %get3A_9 = vector.load %arg3[%get3A_7, %get3A_8] : memref<1x4096xbf16, #tpu.memory_space<vmem>>, vector<1x4096xbf16>
    %add3A = vector.broadcast %get3A_9 : vector<1x4096xbf16> to vector<4096x4096xbf16>
    %add3A_10 = arith.addf %convert_element_type3A_6, %add3A : vector<4096x4096xbf16>
    %exp23A = math.exp2 %add3A_10 : vector<4096x4096xbf16>
    %slice3A = vector.extract_strided_slice %exp23A {offsets = [0, 0], sizes = [4096, 128], strides = [1, 1]} : vector<4096x4096xbf16> to vector<4096x128xbf16>
    %slice3A_11 = vector.extract_strided_slice %exp23A {offsets = [0, 128], sizes = [4096, 128], strides = [1, 1]} : vector<4096x4096xbf16> to vector<4096x128xbf16>
    %add3A_12 = arith.addf %slice3A, %slice3A_11 : vector<4096x128xbf16>
    %slice3A_13 = vector.extract_strided_slice %exp23A {offsets = [0, 256], sizes = [4096, 128], strides = [1, 1]} : vector<4096x4096xbf16> to vector<4096x128xbf16>
    %add3A_14 = arith.addf %add3A_12, %slice3A_13 : vector<4096x128xbf16>
    %slice3A_15 = vector.extract_strided_slice %exp23A {offsets = [0, 384], sizes = [4096, 128], strides = [1, 1]} : vector<4096x4096xbf16> to vector<4096x128xbf16>
    %add3A_16 = arith.addf %add3A_14, %slice3A_15 : vector<4096x128xbf16>
    %slice3A_17 = vector.extract_strided_slice %exp23A {offsets = [0, 512], sizes = [4096, 128], strides = [1, 1]} : vector<4096x4096xbf16> to vector<4096x128xbf16>
    %add3A_18 = arith.addf %add3A_16, %slice3A_17 : vector<4096x128xbf16>
    %slice3A_19 = vector.extract_strided_slice %exp23A {offsets = [0, 640], sizes = [4096, 128], strides = [1, 1]} : vector<4096x4096xbf16> to vector<4096x128xbf16>
    %add3A_20 = arith.addf %add3A_18, %slice3A_19 : vector<4096x128xbf16>
    %slice3A_21 = vector.extract_strided_slice %exp23A {offsets = [0, 768], sizes = [4096, 128], strides = [1, 1]} : vector<4096x4096xbf16> to vector<4096x128xbf16>
    %add3A_22 = arith.addf %add3A_20, %slice3A_21 : vector<4096x128xbf16>
    %slice3A_23 = vector.extract_strided_slice %exp23A {offsets = [0, 896], sizes = [4096, 128], strides = [1, 1]} : vector<4096x4096xbf16> to vector<4096x128xbf16>
    %add3A_24 = arith.addf %add3A_22, %slice3A_23 : vector<4096x128xbf16>
    %slice3A_25 = vector.extract_strided_slice %exp23A {offsets = [0, 1024], sizes = [4096, 128], strides = [1, 1]} : vector<4096x4096xbf16> to vector<4096x128xbf16>
    %add3A_26 = arith.addf %add3A_24, %slice3A_25 : vector<4096x128xbf16>
    %slice3A_27 = vector.extract_strided_slice %exp23A {offsets = [0, 1152], sizes = [4096, 128], strides = [1, 1]} : vector<4096x4096xbf16> to vector<4096x128xbf16>
    %add3A_28 = arith.addf %add3A_26, %slice3A_27 : vector<4096x128xbf16>
    %slice3A_29 = vector.extract_strided_slice %exp23A {offsets = [0, 1280], sizes = [4096, 128], strides = [1, 1]} : vector<4096x4096xbf16> to vector<4096x128xbf16>
    %add3A_30 = arith.addf %add3A_28, %slice3A_29 : vector<4096x128xbf16>
    %slice3A_31 = vector.extract_strided_slice %exp23A {offsets = [0, 1408], sizes = [4096, 128], strides = [1, 1]} : vector<4096x4096xbf16> to vector<4096x128xbf16>
    %add3A_32 = arith.addf %add3A_30, %slice3A_31 : vector<4096x128xbf16>
    %slice3A_33 = vector.extract_strided_slice %exp23A {offsets = [0, 1536], sizes = [4096, 128], strides = [1, 1]} : vector<4096x4096xbf16> to vector<4096x128xbf16>
    %add3A_34 = arith.addf %add3A_32, %slice3A_33 : vector<4096x128xbf16>
    %slice3A_35 = vector.extract_strided_slice %exp23A {offsets = [0, 1664], sizes = [4096, 128], strides = [1, 1]} : vector<4096x4096xbf16> to vector<4096x128xbf16>
    %add3A_36 = arith.addf %add3A_34, %slice3A_35 : vector<4096x128xbf16>
    %slice3A_37 = vector.extract_strided_slice %exp23A {offsets = [0, 1792], sizes = [4096, 128], strides = [1, 1]} : vector<4096x4096xbf16> to vector<4096x128xbf16>
    %add3A_38 = arith.addf %add3A_36, %slice3A_37 : vector<4096x128xbf16>
    %slice3A_39 = vector.extract_strided_slice %exp23A {offsets = [0, 1920], sizes = [4096, 128], strides = [1, 1]} : vector<4096x4096xbf16> to vector<4096x128xbf16>
    %add3A_40 = arith.addf %add3A_38, %slice3A_39 : vector<4096x128xbf16>
    %slice3A_41 = vector.extract_strided_slice %exp23A {offsets = [0, 2048], sizes = [4096, 128], strides = [1, 1]} : vector<4096x4096xbf16> to vector<4096x128xbf16>
    %add3A_42 = arith.addf %add3A_40, %slice3A_41 : vector<4096x128xbf16>
    %slice3A_43 = vector.extract_strided_slice %exp23A {offsets = [0, 2176], sizes = [4096, 128], strides = [1, 1]} : vector<4096x4096xbf16> to vector<4096x128xbf16>
    %add3A_44 = arith.addf %add3A_42, %slice3A_43 : vector<4096x128xbf16>
    %slice3A_45 = vector.extract_strided_slice %exp23A {offsets = [0, 2304], sizes = [4096, 128], strides = [1, 1]} : vector<4096x4096xbf16> to vector<4096x128xbf16>
    %add3A_46 = arith.addf %add3A_44, %slice3A_45 : vector<4096x128xbf16>
    %slice3A_47 = vector.extract_strided_slice %exp23A {offsets = [0, 2432], sizes = [4096, 128], strides = [1, 1]} : vector<4096x4096xbf16> to vector<4096x128xbf16>
    %add3A_48 = arith.addf %add3A_46, %slice3A_47 : vector<4096x128xbf16>
    %slice3A_49 = vector.extract_strided_slice %exp23A {offsets = [0, 2560], sizes = [4096, 128], strides = [1, 1]} : vector<4096x4096xbf16> to vector<4096x128xbf16>
    %add3A_50 = arith.addf %add3A_48, %slice3A_49 : vector<4096x128xbf16>
    %slice3A_51 = vector.extract_strided_slice %exp23A {offsets = [0, 2688], sizes = [4096, 128], strides = [1, 1]} : vector<4096x4096xbf16> to vector<4096x128xbf16>
    %add3A_52 = arith.addf %add3A_50, %slice3A_51 : vector<4096x128xbf16>
    %slice3A_53 = vector.extract_strided_slice %exp23A {offsets = [0, 2816], sizes = [4096, 128], strides = [1, 1]} : vector<4096x4096xbf16> to vector<4096x128xbf16>
    %add3A_54 = arith.addf %add3A_52, %slice3A_53 : vector<4096x128xbf16>
    %slice3A_55 = vector.extract_strided_slice %exp23A {offsets = [0, 2944], sizes = [4096, 128], strides = [1, 1]} : vector<4096x4096xbf16> to vector<4096x128xbf16>
    %add3A_56 = arith.addf %add3A_54, %slice3A_55 : vector<4096x128xbf16>
    %slice3A_57 = vector.extract_strided_slice %exp23A {offsets = [0, 3072], sizes = [4096, 128], strides = [1, 1]} : vector<4096x4096xbf16> to vector<4096x128xbf16>
    %add3A_58 = arith.addf %add3A_56, %slice3A_57 : vector<4096x128xbf16>
    %slice3A_59 = vector.extract_strided_slice %exp23A {offsets = [0, 3200], sizes = [4096, 128], strides = [1, 1]} : vector<4096x4096xbf16> to vector<4096x128xbf16>
    %add3A_60 = arith.addf %add3A_58, %slice3A_59 : vector<4096x128xbf16>
    %slice3A_61 = vector.extract_strided_slice %exp23A {offsets = [0, 3328], sizes = [4096, 128], strides = [1, 1]} : vector<4096x4096xbf16> to vector<4096x128xbf16>
    %add3A_62 = arith.addf %add3A_60, %slice3A_61 : vector<4096x128xbf16>
    %slice3A_63 = vector.extract_strided_slice %exp23A {offsets = [0, 3456], sizes = [4096, 128], strides = [1, 1]} : vector<4096x4096xbf16> to vector<4096x128xbf16>
    %add3A_64 = arith.addf %add3A_62, %slice3A_63 : vector<4096x128xbf16>
    %slice3A_65 = vector.extract_strided_slice %exp23A {offsets = [0, 3584], sizes = [4096, 128], strides = [1, 1]} : vector<4096x4096xbf16> to vector<4096x128xbf16>
    %add3A_66 = arith.addf %add3A_64, %slice3A_65 : vector<4096x128xbf16>
    %slice3A_67 = vector.extract_strided_slice %exp23A {offsets = [0, 3712], sizes = [4096, 128], strides = [1, 1]} : vector<4096x4096xbf16> to vector<4096x128xbf16>
    %add3A_68 = arith.addf %add3A_66, %slice3A_67 : vector<4096x128xbf16>
    %slice3A_69 = vector.extract_strided_slice %exp23A {offsets = [0, 3840], sizes = [4096, 128], strides = [1, 1]} : vector<4096x4096xbf16> to vector<4096x128xbf16>
    %add3A_70 = arith.addf %add3A_68, %slice3A_69 : vector<4096x128xbf16>
    %slice3A_71 = vector.extract_strided_slice %exp23A {offsets = [0, 3968], sizes = [4096, 128], strides = [1, 1]} : vector<4096x4096xbf16> to vector<4096x128xbf16>
    %add3A_72 = arith.addf %add3A_70, %slice3A_71 : vector<4096x128xbf16>
    %convert_element_type3A_73 = arith.extf %add3A_72 : vector<4096x128xbf16> to vector<4096x128xf32>
    %eq3A = arith.constant 0 : i32
    %eq3A_74 = arith.cmpi eq, %arg0, %eq3A : i32
    %convert_element_type3A_75 = arith.extui %eq3A_74 : i1 to i32
    %cond3A = arith.constant 0 : i32
    %cond3A_76 = arith.cmpi ne, %convert_element_type3A_75, %cond3A : i32
    scf.if %cond3A_76 {
      %swap3A = arith.constant 0 : index
      %swap3A_86 = arith.constant 0 : index
      %swap3A_87 = vector.load %arg5[%swap3A, %swap3A_86] : memref<4096x128xf32, #tpu.memory_space<vmem>>, vector<4096x128xf32>
      tpu.vector_store %arg5[%swap3A, %swap3A_86], %convert_element_type3A_73 {strides = array<i32>} : memref<4096x128xf32, #tpu.memory_space<vmem>>, vector<4096x128xf32>,
    } else {
    }
    %gt3A = arith.constant 0 : i32
    %gt3A_77 = arith.cmpi sgt, %arg0, %gt3A : i32
    %convert_element_type3A_78 = arith.extui %gt3A_77 : i1 to i32
    %cond3A_79 = arith.constant 0 : i32
    %cond3A_80 = arith.cmpi ne, %convert_element_type3A_78, %cond3A_79 : i32
    scf.if %cond3A_80 {
      %get3A_86 = arith.constant 0 : index
      %get3A_87 = arith.constant 0 : index
      %get3A_88 = vector.load %arg5[%get3A_86, %get3A_87] : memref<4096x128xf32, #tpu.memory_space<vmem>>, vector<4096x128xf32>
      %add3A_89 = arith.addf %get3A_88, %convert_element_type3A_73 : vector<4096x128xf32>
      %swap3A = arith.constant 0 : index
      %swap3A_90 = arith.constant 0 : index
      %swap3A_91 = vector.load %arg5[%swap3A, %swap3A_90] : memref<4096x128xf32, #tpu.memory_space<vmem>>, vector<4096x128xf32>
      tpu.vector_store %arg5[%swap3A, %swap3A_90], %add3A_89 {strides = array<i32>} : memref<4096x128xf32, #tpu.memory_space<vmem>>, vector<4096x128xf32>,
    } else {
    }
    %eq3A_81 = arith.constant 24 : i32
    %eq3A_82 = arith.cmpi eq, %arg0, %eq3A_81 : i32
    %convert_element_type3A_83 = arith.extui %eq3A_82 : i1 to i32
    %cond3A_84 = arith.constant 0 : i32
    %cond3A_85 = arith.cmpi ne, %convert_element_type3A_83, %cond3A_84 : i32
    scf.if %cond3A_85 {
      %get3A_86 = arith.constant 0 : index
      %get3A_87 = arith.constant 0 : index
      %get3A_88 = vector.load %arg5[%get3A_86, %get3A_87] : memref<4096x128xf32, #tpu.memory_space<vmem>>, vector<4096x128xf32>
      %reduce_sum3A = arith.constant dense<0.000000e+00> : vector<4096xf32>
      %reduce_sum3A_89 = vector.multi_reduction <add>, %get3A_88, %reduce_sum3A [1] : vector<4096x128xf32> to vector<4096xf32>
      %broadcast_in_dim3A = vector.shape_cast %reduce_sum3A_89 : vector<4096xf32> to vector<4096x1xf32>
      %swap3A = arith.constant 0 : index
      %swap3A_90 = arith.constant 0 : index
      %swap3A_91 = vector.load %arg4[%swap3A, %swap3A_90] : memref<4096x1xf32, #tpu.memory_space<vmem>>, vector<4096x1xf32>
      tpu.vector_store %arg4[%swap3A, %swap3A_90], %broadcast_in_dim3A {strides = array<i32>} : memref<4096x1xf32, #tpu.memory_space<vmem>>, vector<4096x1xf32>,
    } else {
    }
    return
  }
  func.func @transform_0(%arg0: i32) -> (i32, i32) {
    %c0_i32 = arith.constant 0 : i32
    %c0_i32_0 = arith.constant 0 : i32
    %c0_i32_1 = arith.constant 0 : i32
    return %c0_i32, %c0_i32_0 : i32, i32
  }
  func.func @transform_1(%arg0: i32) -> (i32, i32) {
    %c0_i32 = arith.constant 0 : i32
    %c0_i32_0 = arith.constant 0 : i32
    return %arg0, %c0_i32 : i32, i32
  }
  func.func @transform_2(%arg0: i32) -> (i32, i32) {
    %c0_i32 = arith.constant 0 : i32
    %c0_i32_0 = arith.constant 0 : i32
    return %c0_i32, %arg0 : i32, i32
  }
  func.func @transform_3(%arg0: i32) -> (i32, i32) {
    %c0_i32 = arith.constant 0 : i32
    %c0_i32_0 = arith.constant 0 : i32
    %c0_i32_1 = arith.constant 0 : i32
    return %c0_i32, %c0_i32_0 : i32, i32
  }
}

</mosaic_0001>

<sc_bundles>
// kernel: kernel.6.cloned.1.call-start
scs
__scs_entry_jumppad:
0x0: {  	(pc) =	sbr.rel $0x88, $3  }
0x1: {  	(tag) =	ssettag $0x0;
	lr =	simm.s32 $0x1  }
0x2: {  	[smem:$0x3F9C] =	sst lr;
	_ =	strace $0xD0000000  }
0x3: {  	_ = 	snop  }
0x4: {  	_ = 	snop  }
0x5: {  	_ = 	snop  }
0x6: {  	_ = 	snop  }
0x7: {  	_ = 	snop  }
__scs_overlays_trampoline_lowered:
0x8: {  	[smem:$0x3FAB] =	sst s0  }
0x9: {  	[smem:$0x3FAC] =	sst s1  }
0xa: {  	[smem:$0x3FAD] =	sst s2  }
0xb: {  	[smem:$0x3FAE] =	sst s3  }
0xc: {  	[smem:$0x3FAF] =	sst s4  }
0xd: {  	[smem:$0x3FB0] =	sst s5  }
0xe: {  	[smem:$0x3FB1] =	sst s6  }
0xf: {  	[smem:$0x3FB2] =	sst s7  }
0x10: {  	[smem:$0x3FB3] =	sst s8  }
0x11: {  	[smem:$0x3FB4] =	sst s9;
	s0 =	simm.s32 @!p0 $0x0  }
0x12: {  	s1 =	sld [smem:$0x3F9A];
	s0 =	simm.s32 @p0 $0x1  }
0x13: {  	[smem:$0x3FB5] =	sst s0;
	s0 =	simm.s32 @!p1 $0x0  }
0x14: {  	s2 =	sld [smem:$0x3F99];
	s0 =	simm.s32 @p1 $0x1  }
0x15: {  	[smem:$0x3FB6] =	sst s0;
	s0 =	simm.s32 @!p2 $0x0  }
0x16: {  	s3 =	sld [smem:$0x3FDB];
	s0 =	simm.s32 @p2 $0x1  }
0x17: {  	s4 =	simm.s32 $0x1BF5;
	[smem:$0x3FB8] =	sst s0  }
0x18: {  	s0 =	sld [smem:$0x3F9B];
	_ =	swait.ge [sflag:s4], $0x0  }
0x19: {  	s7 =	sld [smem:$0x3F9C]  }
0x1a: {  	s8 =	sadd.s32 $0xFFFFE003, lr  }
0x1b: {  	s9 =	sadd.s32 $0xFFFFFEF7, lr;
	s5 =	simm.s32 $0xFFFFFFFF;
	p2 =	slt.u32 s8, $0xFFFFF086  }
0x1c: {  	p1 =	slt.u32 s9, $0xF7A;
	s5 =	simm.s32 @!p2 $0x0  }
0x1d: {  	s5 =	simm.s32 @p1 $0x1;
	p0 =	seq.s32 s7, s2  }
0x1e: {  	s7 =	smul.u32 @!p0 $0xF7A, s2;
	p2 =	seq.s32 @!p0 s5, $0x0  }
0x1f: {  	s9 =	smul.u32 $0xF7A, s1;
	s8 =	simm.s32 @!p0 $0x1BF5;
	p2 =	por !p2, p0  }
0x20: {  	[sflag:s8] =	ssyncset.s32 @!p0 $0xFFFFF086;
	s6 =	sadd.s32 @!p0 s3, s7;
	s7 =	simm.s32 @!p0 $0x108  }
0x21: {  	s3 =	sadd.s32 s3, s9;
	s6 =	sadd.s32 @!p0 $0x88, s6;
	s7 =	simm.s32 @p2 $0x1082  }
0x22: {  	[simem:s7], [sflag:s8] =	dma.local @!p0 [hbm:s6], $0xF7A  }
0x23: {  	s9 =	sor.u32 $0xD0000000, s2;
	s6 =	simm.s32 $0x108;
	_ =	swait.ge @!p0 [sflag:s8], $0x0  }
0x24: {  	s3 =	sadd.s32 $0x88, s3;
	s6 =	simm.s32 @!p1 $0x1082;
	[sflag:s4] =	ssyncset.s32 $0xFFFFF086  }
0x25: {  	[simem:s6], [sflag:s4] =	dma.local [hbm:s3], $0xF7A  }
0x26: {  	[smem:$0x3F9C] =	sst s1;
	(tag) =	ssettag s2;
	_ =	strace s9  }
0x27: {  	s1 =	sld [smem:$0x3FAC]  }
0x28: {  	s2 =	sld [smem:$0x3FAD]  }
0x29: {  	s4 =	sld [smem:$0x3FAF]  }
0x2a: {  	p0 =	seq.s32 s5, $0x0;
	s5 =	sld [smem:$0x3FB0]  }
0x2b: {  	s6 =	sld [smem:$0x3FB1]  }
0x2c: {  	s7 =	sld [smem:$0x3FB2]  }
0x2d: {  	s3 =	simm.s32 $0x108;
	s8 =	sld [smem:$0x3FB3]  }
0x2e: {  	s3 =	simm.s32 @!p0 $0x1082;
	s9 =	sld [smem:$0x3FB4]  }
0x2f: {  	lr =	sadd.s32 s0, s3;
	s0 =	sld [smem:$0x3FAB]  }
0x30: {  	s3 =	sld [smem:$0x3FAE]  }
0x31: {  	[smem:$0x3FB7] =	sst s10  }
0x32: {  	s10 =	sld [smem:$0x3FB5];
	_ =	sdelay $0x3  }
0x33: {  	p0 =	seq.s32 s10, $0x1;
	s10 =	sld [smem:$0x3FB7];
	_ =	sdelay $0x3  }
0x34: {  	[smem:$0x3FB7] =	sst s10  }
0x35: {  	s10 =	sld [smem:$0x3FB6];
	_ =	sdelay $0x3  }
0x36: {  	p1 =	seq.s32 s10, $0x1;
	s10 =	sld [smem:$0x3FB7];
	_ =	sdelay $0x3  }
0x37: {  	[smem:$0x3FB7] =	sst s10  }
0x38: {  	s10 =	sld [smem:$0x3FB8]  }
0x39: {  	_ = 	snop;
	(pc) =	sbr.ind lr, $3  }
0x3a: {  	_ = 	snop  }
0x3b: {  	_ = 	snop  }
0x3c: {  	p2 =	seq.s32 s10, $0x1;
	s10 =	sld [smem:$0x3FB7]  }
0x3d: {  	_ =	shalt  }
0x3e: {  	_ =	shalt  }
0x3f: {  	_ =	shalt  }
0x40: {  	_ =	shalt  }
0x41: {  	_ =	shalt  }
0x42: {  	_ =	shalt  }
0x43: {  	_ =	shalt  }
0x44: {  	_ =	shalt  }
0x45: {  	_ =	shalt  }
0x46: {  	_ =	shalt  }
0x47: {  	_ =	shalt  }
0x48: {  	_ =	shalt  }
0x49: {  	_ =	shalt  }
0x4a: {  	_ =	shalt  }
0x4b: {  	_ =	shalt  }
0x4c: {  	_ =	shalt  }
0x4d: {  	_ =	shalt  }
0x4e: {  	_ =	shalt  }
0x4f: {  	_ =	shalt  }
0x50: {  	_ =	shalt  }
0x51: {  	_ =	shalt  }
0x52: {  	_ =	shalt  }
0x53: {  	_ =	shalt  }
0x54: {  	_ =	shalt  }
0x55: {  	_ =	shalt  }
0x56: {  	_ =	shalt  }
0x57: {  	_ =	shalt  }
0x58: {  	_ =	shalt  }
0x59: {  	_ =	shalt  }
0x5a: {  	_ =	shalt  }
0x5b: {  	_ =	shalt  }
0x5c: {  	_ =	shalt  }
0x5d: {  	_ =	shalt  }
0x5e: {  	_ =	shalt  }
0x5f: {  	_ =	shalt  }
0x60: {  	_ =	shalt  }
0x61: {  	_ =	shalt  }
0x62: {  	_ =	shalt  }
0x63: {  	_ =	shalt  }
0x64: {  	_ =	shalt  }
0x65: {  	_ =	shalt  }
0x66: {  	_ =	shalt  }
0x67: {  	_ =	shalt  }
0x68: {  	_ =	shalt  }
0x69: {  	_ =	shalt  }
0x6a: {  	_ =	shalt  }
0x6b: {  	_ =	shalt  }
0x6c: {  	_ =	shalt  }
0x6d: {  	_ =	shalt  }
0x6e: {  	_ =	shalt  }
0x6f: {  	_ =	shalt  }
0x70: {  	_ =	shalt  }
0x71: {  	_ =	shalt  }
0x72: {  	_ =	shalt  }
0x73: {  	_ =	shalt  }
0x74: {  	_ =	shalt  }
0x75: {  	_ =	shalt  }
0x76: {  	_ =	shalt  }
0x77: {  	_ =	shalt  }
0x78: {  	_ =	shalt  }
0x79: {  	_ =	shalt  }
0x7a: {  	_ =	shalt  }
0x7b: {  	_ =	shalt  }
0x7c: {  	_ =	shalt  }
0x7d: {  	_ =	shalt  }
0x7e: {  	_ =	shalt  }
0x7f: {  	_ =	shalt  }
0x80: {  	_ =	shalt  }
0x81: {  	_ =	shalt  }
0x82: {  	_ =	shalt  }
0x83: {  	_ =	shalt  }
0x84: {  	_ =	shalt  }
0x85: {  	_ =	shalt  }
0x86: {  	_ =	shalt  }
0x87: {  	_ =	shalt  }
.Lfunc_end0:
.L_simem_size_0:
called_computation_lowered:
.L_overlay_start_0:
0x88: {  	s2 =	sld [smem:$0x3FD9]  }
0x89: {  	s3 =	sld [smem:$0x3FFE];
	_ =	sdelay $0x1  }
0x8a: {  	s1 =	srdreg.scid  }
0x8b: {  	s0 =	sand.u32 $0x1, s1  }
0x8c: {  	s17 =	sshll.u32 s0, $0xA;
	s2 =	sadd.s32 s3, s2  }
0x8d: {  	s2 =	sadd.s32 s2, s17  }
0x8e: {  	[smem:$0x3FC3] =	sst s2  }
0x8f: {  	_ = 	snop  }
0x90: {  	s2 =	sld [smem:$0x3FC9];
	(tm) =	ssettm $0x1  }
0x91: {  	s18 =	sld [smem:$0x3FFB];
	_ =	sdelay $0x3  }
0x92: {  	_ =	strace s18  }
0x93: {  	s3 =	sld [smem:$0x3FFC];
	_ =	sdelay $0x3  }
0x94: {  	_ =	strace s3  }
0x95: {  	s3 =	sld [smem:$0x3FFD];
	_ =	sdelay $0x3  }
0x96: {  	_ =	strace s3  }
0x97: {  	_ =	strace $0x8FFFFFFF  }
0x98: {  	s19 =	sld [smem:$0x3FDB];
	_ =	sdelay $0x1  }
0x99: {  	s4 =	simm.s32 $_scs_section_size  }
0x9a: {  	s5 =	simm.s32 $_size__tile_overlayer_lowered;
	s6 =	simm.s32 $_tile_overlayer_lowered  }
0x9b: {  	s22 =	simm.s32 $0x1BFF;
	s21 =	sshll.u32 s6, $0x1;
	s3 =	sadd.s32 s4, s19  }
0x9c: {  	s7 =	simm.s32 $0x0;
	s20 =	sshll.u32 s5, $0x1;
	s5 =	sadd.s32 s21, s3  }
0x9d: {  	[timem:s7], [sflag:s22] =	dma.local [hbm:s5], s20  }
0x9e: {  	_ =	swait.ge [sflag:s22], s20  }
0x9f: {  	s4 =	ssub.s32 $0x0, s20;
	[sflag:s22] =	ssyncset.done $0x0  }
0xa0: {  	[sflag:s22] =	ssyncadd.s32 s4;
	_ =	sdelay $0x1  }
0xa1: {  	s23 =	simm.s32 $0x1B8B  }
0xa2: {  	_ =	swait.ge [sflag:s23], $0x1  }
0xa3: {  	[sflag:s23] =	ssyncset.done $0x0  }
0xa4: {  	s25 =	simm.s32 $0x1B8E;
	s24 =	sld [smem:$0x3FFE];
	[sflag:s23] =	ssyncadd.s32 $0xFFFFFFFF  }
0xa5: {  	s26 =	simm.s32 $execute0_lowered;
	[smem:$0x3FD2] =	sst s25  }
0xa6: {  	s5 =	sshll.u32 s26, $0x1;
	_ =	strace $0x80000046;
	[dreg:$0x1] =	wrdreg $0xFFFFFFFF  }
0xa7: {  	s28 =	simm.s32 $_size_execute0_lowered;
	s3 =	sadd.s32 s3, s5;
	[dreg:$0x0] =	wrdreg $0x0  }
0xa8: {  	s5 =	sshll.u32 s28, $0x1;
	[dreg:$0x2] =	wrdreg s3  }
0xa9: {  	[dreg:$0x3] =	wrdreg s5  }
0xaa: {  	[dreg:$0x4] =	wrdreg $0xC0  }
0xab: {  	_ =	task [dreg:s7], $0x5FFFF  }
0xac: {  	[dreg:$0x1] =	wrdreg $0xFFFFFFFF  }
0xad: {  	[dreg:$0x0] =	wrdreg $0x60  }
0xae: {  	[dreg:$0x2] =	wrdreg s24  }
0xaf: {  	[dreg:$0x3] =	wrdreg s2  }
0xb0: {  	[dreg:$0x4] =	wrdreg $0x9  }
0xb1: {  	_ =	task.clear_ibuf [dreg:s7], $0x5FFFF;
	_ =	strace $0x90000046  }
0xb2: {  	s29 =	simm.s32 $0x9;
	_ =	strace $0x80000048  }
0xb3: {  	_ =	swait.ge [sflag:s29], $0x1  }
0xb4: {  	[sflag:s29] =	ssyncadd.s32 $0xFFFFFFFF  }
0xb5: {  	_ =	strace $0x90000048  }
0xb6: {  	_ =	sfence  }
0xb7: {  	s30 =	sld [smem:$0x0];
	_ =	sdelay $0x2  }
0xb8: {  	s31 =	sshll.u32 s1, $0xD;
	s1 =	sshrl.u32 s1, $0x2  }
0xb9: {  	s3 =	sand.u32 $0x4000, s31;
	s1 =	sadd.s32 s1, s30  }
0xba: {  	s0 =	sor.u32 s3, s0;
	s1 =	sshll.u32 s1, $0x11  }
0xbb: {  	s0 =	sor.u32 s1, s0  }
0xbc: {  	s0 =	sadd.s32 $0x8F2B, s0  }
0xbd: {  	[sflag:s0] =	ssyncadd.remote.s32 $0x1  }
0xbe: {  	_ =	sfence.sel $0xFFFF  }
0xbf: {  	[dreg:$0x0] =	wrdreg $0xFFFFFFFF;
	(pc) =	sbr.abs _section_cstart, $3  }
0xc0: {  	[dreg:$0x1] =	wrdreg $0xFFFFFFFF  }
0xc1: {  	_ =	task.clear_ibuf [dreg:s7], $0x2FFFF;
	_ =	strace $0x9FFFFFFF  }
0xc2: {  	(tm) =	ssettm $0x7FFFFFFF  }
0xc3: {  	_ =	shalt  }
tec
execute0_lowered:
.L_overlay_start_1:
0x0: {  	(tag) =	ssettag $0x1  }
0x1: {  	s1 =	srdreg.scid  }
0x2: {  	s8 =	rddreg [dreg:$0x0];
	s0 =	stileid.u32  }
0x3: {  	s3 =	rddreg [dreg:$0x1];
	s2 =	simm.s32 $0x0;
	s6 =	sand.u32 $0x1, s1  }
0x4: {  	s4 =	sshll.u32 s0, $0x8;
	s1 =	rddreg [dreg:$0x2];
	s5 =	sshll.u32 s6, $0x7  }
0x5: {  	s7 =	simm.s32 $0x1;
	[smem:$0x7FF] =	sst s2;
	s9 =	sor.u32 s5, s4  }
0x6: {  	_ =	strace $0x80000047;
	s10 =	ssub.s32 $0x2, s6;
	s4 =	sshrl.u32 s9, $0x3  }
0x7: {  	s6 =	simm.s32 $0x80;
	s4 =	sadd.s32 s3, s4;
	s3 =	simm.s32 $0x2  }
0x8: {  	[tilespmem:s2], [sflag:$0x2] =	stream.linear.gather [hbm4b:s4+s2], $0x80, $0x38;
	[tilespmem:$0x1080] =	vst v63  }
0x9: {  	s5 =	sadd.s32 $0x188600, s8;
	s11 =	sshrl.u32 s10, $0x1;
	_ =	swait.ge [sflag:s3], $0x80  }
0xa: {  	s9 =	sshll.u32 s9, $0x2;
	s31 =	ssub.s32 s10, s11;
	[sflag:s3] =	ssyncset.done $0x0  }
0xb: {  	s8 =	sadd.s32 s9, s8;
	s9 =	smax.u32 s31, $0x1;
	[sflag:s3] =	ssyncadd.s32 $0xFFFFFF80  }
0xc: {  	[tilespmem:s6], [sflag:$0x1] =	stream.indirect.gather [hbm4b:s5+s6], $0x20, s2, s6, $0xb8;
	[tilespmem:$0x1080] =	vst v63  }
0xd: {  	p0 =	sne.s32 s9, $0x1;
	_ =	swait.ge [sflag:s7], $0x1000  }
.Ltmp0:
0xe: {  	[sflag:s7] =	ssyncset.done $0x0;
	(pc) =	sbr.rel @!p0 .LBB2_2-.Ltmp0, $4  }
0xf: {  	s8 =	sadd.s32 $0x1C00, s8;
	[sflag:s7] =	ssyncadd.s32 $0xFFFFF000  }
0x10: {  	[hbm4b:s8+s2] =	stream.linear.scatter [tilespmem:s6], [sflag:$0x2], $0x1000, $0x38;
	[tilespmem:$0x1080] =	vst v63  }
0x11: {  	_ =	swait.ge [sflag:s3], $0x1000  }
0x12: {  	s9 =	sadd.s32 $0xFFFFFFFF, s9;
	[sflag:s3] =	ssyncset.done $0x0  }
.LBB2_1:
0x13: {  	p0 =	sne.s32 s9, $0x1;
	s9 =	sadd.s32 $0xFFFFFFFF, s9;
	[sflag:s3] =	ssyncadd.s32 $0xFFFFF000  }
0x14: {  	[tilespmem:s2], [sflag:$0x2] =	stream.linear.gather [hbm4b:s4+s2], $0x80, $0x38;
	[tilespmem:$0x1080] =	vst v63  }
0x15: {  	_ =	swait.ge [sflag:s3], $0x80  }
0x16: {  	[sflag:s3] =	ssyncset.done $0x0  }
0x17: {  	[sflag:s3] =	ssyncadd.s32 $0xFFFFFF80  }
0x18: {  	[tilespmem:s6], [sflag:$0x1] =	stream.indirect.gather [hbm4b:s5+s6], $0x20, s2, s6, $0xb8;
	[tilespmem:$0x1080] =	vst v63  }
0x19: {  	_ =	swait.ge [sflag:s7], $0x1000  }
.Ltmp1:
0x1a: {  	[sflag:s7] =	ssyncset.done $0x0;
	(pc) =	sbr.rel @p0 .LBB2_1-.Ltmp1, $4  }
0x1b: {  	[sflag:s7] =	ssyncadd.s32 $0xFFFFF000  }
0x1c: {  	[hbm4b:s8+s2] =	stream.linear.scatter [tilespmem:s6], [sflag:$0x2], $0x1000, $0x38;
	[tilespmem:$0x1080] =	vst v63  }
0x1d: {  	_ =	swait.ge [sflag:s3], $0x1000  }
0x1e: {  	[sflag:s3] =	ssyncset.done $0x0  }
.LBB2_2:
0x1f: {  	[sflag:s3] =	ssyncadd.s32 $0xFFFFF000  }
0x20: {  	_ =	sfence.sel $0x180000  }
0x21: {  	[bflag:$0x0] =	sbarrier.arrive $0xFFFF  }
0x22: {  	p0 =	sne.s32 s0, $0x0;
	_ =	strace $0x90000047  }
0x23: {  	s0 =	sadd.s32 @!p0 $0x100000, s1;
	[bflag:$0x2] =	sbarrier.arrive $0xFFFF  }
0x24: {  	[sflag:s0] =	ssyncadd.tile.s32 @!p0 $0x1;
	_ =	shalt  }
.Lfunc_end2:
_tile_overlayer_lowered:
.L_overlay_start_2:
0x25: {  	(tag) =	ssettag $0x2  }
0x26: {  	s0 =	rddreg [dreg:$0x0];
	s2 =	stileid.u32  }
0x27: {  	s1 =	rddreg [dreg:$0x1];
	p0 =	sne.s32 s2, $0x0  }
0x28: {  	s3 =	rddreg [dreg:$0x2];
	[bflag:$0x3] =	sbarrier.arrive $0xFFFF;
	s2 =	simm.s32 @!p0 $0x1C02  }
0x29: {  	[timem:s3], [sflag:s2] =	dma.local @!p0 [hbm:s0], s1  }
0x2a: {  	s0 =	simm.s32 @!p0 $0x2  }
0x2b: {  	_ =	swait.ge @!p0 [sflag:s0], s1  }
0x2c: {  	s1 =	ssub.s32 @!p0 $0x0, s1;
	[sflag:s0] =	ssyncset.done @!p0 $0x0  }
0x2d: {  	[sflag:s0] =	ssyncadd.s32 @!p0 s1  }
0x2e: {  	[bflag:$0x3] =	sbarrier.arrive $0xFFFF  }
0x2f: {  	_ =	shalt  }

// kernel: kernel.9.cloned.1.call-start
scs
__scs_entry_jumppad:
0x0: {  	(pc) =	sbr.rel $0x88, $3  }
0x1: {  	(tag) =	ssettag $0x0;
	lr =	simm.s32 $0x1  }
0x2: {  	[smem:$0x3F9C] =	sst lr;
	_ =	strace $0xD0000000  }
0x3: {  	_ = 	snop  }
0x4: {  	_ = 	snop  }
0x5: {  	_ = 	snop  }
0x6: {  	_ = 	snop  }
0x7: {  	_ = 	snop  }
__scs_overlays_trampoline_lowered:
0x8: {  	[smem:$0x3FAB] =	sst s0  }
0x9: {  	[smem:$0x3FAC] =	sst s1  }
0xa: {  	[smem:$0x3FAD] =	sst s2  }
0xb: {  	[smem:$0x3FAE] =	sst s3  }
0xc: {  	[smem:$0x3FAF] =	sst s4  }
0xd: {  	[smem:$0x3FB0] =	sst s5  }
0xe: {  	[smem:$0x3FB1] =	sst s6  }
0xf: {  	[smem:$0x3FB2] =	sst s7  }
0x10: {  	[smem:$0x3FB3] =	sst s8  }
0x11: {  	[smem:$0x3FB4] =	sst s9;
	s0 =	simm.s32 @!p0 $0x0  }
0x12: {  	s1 =	sld [smem:$0x3F9A];
	s0 =	simm.s32 @p0 $0x1  }
0x13: {  	[smem:$0x3FB5] =	sst s0;
	s0 =	simm.s32 @!p1 $0x0  }
0x14: {  	s2 =	sld [smem:$0x3F99];
	s0 =	simm.s32 @p1 $0x1  }
0x15: {  	[smem:$0x3FB6] =	sst s0;
	s0 =	simm.s32 @!p2 $0x0  }
0x16: {  	s3 =	sld [smem:$0x3FDB];
	s0 =	simm.s32 @p2 $0x1  }
0x17: {  	s4 =	simm.s32 $0x1BF5;
	[smem:$0x3FB8] =	sst s0  }
0x18: {  	s0 =	sld [smem:$0x3F9B];
	_ =	swait.ge [sflag:s4], $0x0  }
0x19: {  	s7 =	sld [smem:$0x3F9C]  }
0x1a: {  	s8 =	sadd.s32 $0xFFFFE003, lr  }
0x1b: {  	s9 =	sadd.s32 $0xFFFFFEF7, lr;
	s5 =	simm.s32 $0xFFFFFFFF;
	p2 =	slt.u32 s8, $0xFFFFF086  }
0x1c: {  	p1 =	slt.u32 s9, $0xF7A;
	s5 =	simm.s32 @!p2 $0x0  }
0x1d: {  	s5 =	simm.s32 @p1 $0x1;
	p0 =	seq.s32 s7, s2  }
0x1e: {  	s7 =	smul.u32 @!p0 $0xF7A, s2;
	p2 =	seq.s32 @!p0 s5, $0x0  }
0x1f: {  	s9 =	smul.u32 $0xF7A, s1;
	s8 =	simm.s32 @!p0 $0x1BF5;
	p2 =	por !p2, p0  }
0x20: {  	[sflag:s8] =	ssyncset.s32 @!p0 $0xFFFFF086;
	s6 =	sadd.s32 @!p0 s3, s7;
	s7 =	simm.s32 @!p0 $0x108  }
0x21: {  	s3 =	sadd.s32 s3, s9;
	s6 =	sadd.s32 @!p0 $0x88, s6;
	s7 =	simm.s32 @p2 $0x1082  }
0x22: {  	[simem:s7], [sflag:s8] =	dma.local @!p0 [hbm:s6], $0xF7A  }
0x23: {  	s9 =	sor.u32 $0xD0000000, s2;
	s6 =	simm.s32 $0x108;
	_ =	swait.ge @!p0 [sflag:s8], $0x0  }
0x24: {  	s3 =	sadd.s32 $0x88, s3;
	s6 =	simm.s32 @!p1 $0x1082;
	[sflag:s4] =	ssyncset.s32 $0xFFFFF086  }
0x25: {  	[simem:s6], [sflag:s4] =	dma.local [hbm:s3], $0xF7A  }
0x26: {  	[smem:$0x3F9C] =	sst s1;
	(tag) =	ssettag s2;
	_ =	strace s9  }
0x27: {  	s1 =	sld [smem:$0x3FAC]  }
0x28: {  	s2 =	sld [smem:$0x3FAD]  }
0x29: {  	s4 =	sld [smem:$0x3FAF]  }
0x2a: {  	p0 =	seq.s32 s5, $0x0;
	s5 =	sld [smem:$0x3FB0]  }
0x2b: {  	s6 =	sld [smem:$0x3FB1]  }
0x2c: {  	s7 =	sld [smem:$0x3FB2]  }
0x2d: {  	s3 =	simm.s32 $0x108;
	s8 =	sld [smem:$0x3FB3]  }
0x2e: {  	s3 =	simm.s32 @!p0 $0x1082;
	s9 =	sld [smem:$0x3FB4]  }
0x2f: {  	lr =	sadd.s32 s0, s3;
	s0 =	sld [smem:$0x3FAB]  }
0x30: {  	s3 =	sld [smem:$0x3FAE]  }
0x31: {  	[smem:$0x3FB7] =	sst s10  }
0x32: {  	s10 =	sld [smem:$0x3FB5];
	_ =	sdelay $0x3  }
0x33: {  	p0 =	seq.s32 s10, $0x1;
	s10 =	sld [smem:$0x3FB7];
	_ =	sdelay $0x3  }
0x34: {  	[smem:$0x3FB7] =	sst s10  }
0x35: {  	s10 =	sld [smem:$0x3FB6];
	_ =	sdelay $0x3  }
0x36: {  	p1 =	seq.s32 s10, $0x1;
	s10 =	sld [smem:$0x3FB7];
	_ =	sdelay $0x3  }
0x37: {  	[smem:$0x3FB7] =	sst s10  }
0x38: {  	s10 =	sld [smem:$0x3FB8]  }
0x39: {  	_ = 	snop;
	(pc) =	sbr.ind lr, $3  }
0x3a: {  	_ = 	snop  }
0x3b: {  	_ = 	snop  }
0x3c: {  	p2 =	seq.s32 s10, $0x1;
	s10 =	sld [smem:$0x3FB7]  }
0x3d: {  	_ =	shalt  }
0x3e: {  	_ =	shalt  }
0x3f: {  	_ =	shalt  }
0x40: {  	_ =	shalt  }
0x41: {  	_ =	shalt  }
0x42: {  	_ =	shalt  }
0x43: {  	_ =	shalt  }
0x44: {  	_ =	shalt  }
0x45: {  	_ =	shalt  }
0x46: {  	_ =	shalt  }
0x47: {  	_ =	shalt  }
0x48: {  	_ =	shalt  }
0x49: {  	_ =	shalt  }
0x4a: {  	_ =	shalt  }
0x4b: {  	_ =	shalt  }
0x4c: {  	_ =	shalt  }
0x4d: {  	_ =	shalt  }
0x4e: {  	_ =	shalt  }
0x4f: {  	_ =	shalt  }
0x50: {  	_ =	shalt  }
0x51: {  	_ =	shalt  }
0x52: {  	_ =	shalt  }
0x53: {  	_ =	shalt  }
0x54: {  	_ =	shalt  }
0x55: {  	_ =	shalt  }
0x56: {  	_ =	shalt  }
0x57: {  	_ =	shalt  }
0x58: {  	_ =	shalt  }
0x59: {  	_ =	shalt  }
0x5a: {  	_ =	shalt  }
0x5b: {  	_ =	shalt  }
0x5c: {  	_ =	shalt  }
0x5d: {  	_ =	shalt  }
0x5e: {  	_ =	shalt  }
0x5f: {  	_ =	shalt  }
0x60: {  	_ =	shalt  }
0x61: {  	_ =	shalt  }
0x62: {  	_ =	shalt  }
0x63: {  	_ =	shalt  }
0x64: {  	_ =	shalt  }
0x65: {  	_ =	shalt  }
0x66: {  	_ =	shalt  }
0x67: {  	_ =	shalt  }
0x68: {  	_ =	shalt  }
0x69: {  	_ =	shalt  }
0x6a: {  	_ =	shalt  }
0x6b: {  	_ =	shalt  }
0x6c: {  	_ =	shalt  }
0x6d: {  	_ =	shalt  }
0x6e: {  	_ =	shalt  }
0x6f: {  	_ =	shalt  }
0x70: {  	_ =	shalt  }
0x71: {  	_ =	shalt  }
0x72: {  	_ =	shalt  }
0x73: {  	_ =	shalt  }
0x74: {  	_ =	shalt  }
0x75: {  	_ =	shalt  }
0x76: {  	_ =	shalt  }
0x77: {  	_ =	shalt  }
0x78: {  	_ =	shalt  }
0x79: {  	_ =	shalt  }
0x7a: {  	_ =	shalt  }
0x7b: {  	_ =	shalt  }
0x7c: {  	_ =	shalt  }
0x7d: {  	_ =	shalt  }
0x7e: {  	_ =	shalt  }
0x7f: {  	_ =	shalt  }
0x80: {  	_ =	shalt  }
0x81: {  	_ =	shalt  }
0x82: {  	_ =	shalt  }
0x83: {  	_ =	shalt  }
0x84: {  	_ =	shalt  }
0x85: {  	_ =	shalt  }
0x86: {  	_ =	shalt  }
0x87: {  	_ =	shalt  }
.Lfunc_end0:
.L_simem_size_0:
called_computation.1_lowered:
.L_overlay_start_0:
0x88: {  	s2 =	sld [smem:$0x3FD9]  }
0x89: {  	s3 =	sld [smem:$0x3FFE];
	_ =	sdelay $0x1  }
0x8a: {  	s1 =	srdreg.scid  }
0x8b: {  	s0 =	sand.u32 $0x1, s1  }
0x8c: {  	s17 =	sshll.u32 s0, $0xA;
	s2 =	sadd.s32 s3, s2  }
0x8d: {  	s2 =	sadd.s32 s2, s17  }
0x8e: {  	[smem:$0x3FC3] =	sst s2  }
0x8f: {  	_ = 	snop  }
0x90: {  	s18 =	sld [smem:$0x3FC8]  }
0x91: {  	s5 =	sld [smem:$0x3FC5]  }
0x92: {  	s4 =	sld [smem:$0x3FD0];
	(tm) =	ssettm $0x1  }
0x93: {  	s19 =	sld [smem:$0x3FFB];
	_ =	sdelay $0x3  }
0x94: {  	_ =	strace s19  }
0x95: {  	s2 =	sld [smem:$0x3FFC];
	_ =	sdelay $0x3  }
0x96: {  	_ =	strace s2  }
0x97: {  	s2 =	sld [smem:$0x3FFD];
	_ =	sdelay $0x3  }
0x98: {  	_ =	strace s2  }
0x99: {  	_ =	strace $0x8FFFFFFF  }
0x9a: {  	s20 =	sld [smem:$0x3FDB];
	_ =	sdelay $0x1  }
0x9b: {  	s6 =	simm.s32 $_scs_section_size  }
0x9c: {  	s7 =	simm.s32 $_size__tile_overlayer_lowered;
	s8 =	simm.s32 $_tile_overlayer_lowered  }
0x9d: {  	s9 =	simm.s32 $0x1BFF;
	s21 =	sshll.u32 s8, $0x1;
	s6 =	sadd.s32 s6, s20  }
0x9e: {  	s22 =	simm.s32 $0x0;
	s7 =	sshll.u32 s7, $0x1;
	s8 =	sadd.s32 s21, s6  }
0x9f: {  	[timem:s22], [sflag:s9] =	dma.local [hbm:s8], s7  }
0xa0: {  	_ =	swait.ge [sflag:s9], s7  }
0xa1: {  	s7 =	ssub.s32 $0x0, s7;
	[sflag:s9] =	ssyncset.done $0x0  }
0xa2: {  	[sflag:s9] =	ssyncadd.s32 s7;
	_ =	sdelay $0x1  }
0xa3: {  	s23 =	simm.s32 $0x1B8B  }
0xa4: {  	_ =	swait.ge [sflag:s23], $0x1  }
0xa5: {  	[sflag:s23] =	ssyncset.done $0x0  }
0xa6: {  	[sflag:s23] =	ssyncadd.s32 $0xFFFFFFFF  }
0xa7: {  	s7 =	sld [smem:$0x0]  }
0xa8: {  	s8 =	sand.u32 $0xFFFFFFFE, s1  }
0xa9: {  	p0 =	sne.s32 s1, s8  }
0xaa: {  	s8 =	sshll.u32 @p0 s8, $0xE  }
0xab: {  	s8 =	sadd.s32 @p0 $0x11B8D, s8;
	s9 =	sshll.u32 @p0 s7, $0x11  }
0xac: {  	s8 =	sor.u32 @p0 s9, s8  }
0xad: {  	[sflag:s8] =	ssyncadd.remote.s32 @p0 $0x1;
	_ =	sdelay $0x1  }
0xae: {  	s8 =	simm.s32 @p0 $0x1B8D  }
0xaf: {  	_ =	swait.eq @p0 [sflag:s8], $0x1  }
0xb0: {  	[sflag:s8] =	ssyncadd.s32 @p0 $0xFFFFFFFF  }
0xb1: {  	s9 =	sshll.u32 @!p0 s1, $0xE  }
0xb2: {  	s9 =	sor.u32 @!p0 $0x4000, s9;
	s8 =	simm.s32 @!p0 $0x1B8D  }
0xb3: {  	s7 =	sshll.u32 @!p0 s7, $0x11;
	s9 =	sadd.s32 @!p0 $0x11B8D, s9;
	_ =	swait.eq @!p0 [sflag:s8], $0x1  }
0xb4: {  	s7 =	sor.u32 @!p0 s7, s9;
	[sflag:s8] =	ssyncadd.s32 @!p0 $0xFFFFFFFF  }
0xb5: {  	s25 =	simm.s32 $0x1B8E;
	s24 =	sld [smem:$0x3FFE];
	[sflag:s7] =	ssyncadd.remote.s32 @!p0 $0x1  }
0xb6: {  	s26 =	simm.s32 $execute0_lowered;
	[smem:$0x3FD2] =	sst s25  }
0xb7: {  	s8 =	sshll.u32 s26, $0x1;
	_ =	strace $0x80000049;
	[dreg:$0x1] =	wrdreg $0xFFFFFFFF  }
0xb8: {  	s28 =	simm.s32 $_size_execute0_lowered;
	s6 =	sadd.s32 s6, s8;
	[dreg:$0x0] =	wrdreg $0x0  }
0xb9: {  	s8 =	sshll.u32 s28, $0x1;
	[dreg:$0x2] =	wrdreg s6  }
0xba: {  	[dreg:$0x3] =	wrdreg s8  }
0xbb: {  	[dreg:$0x4] =	wrdreg $0xC0  }
0xbc: {  	_ =	task [dreg:s22], $0x5FFFF  }
0xbd: {  	[dreg:$0x1] =	wrdreg $0xFFFFFFFF  }
0xbe: {  	[dreg:$0x0] =	wrdreg $0x60  }
0xbf: {  	[dreg:$0x2] =	wrdreg s24  }
0xc0: {  	[dreg:$0x3] =	wrdreg s5  }
0xc1: {  	[dreg:$0x4] =	wrdreg s18  }
0xc2: {  	[dreg:$0x5] =	wrdreg s4  }
0xc3: {  	[dreg:$0x6] =	wrdreg $0xA  }
0xc4: {  	_ =	task.clear_ibuf [dreg:s22], $0x7FFFF;
	_ =	strace $0x90000049  }
0xc5: {  	s29 =	simm.s32 $0xA;
	_ =	strace $0x8000004B  }
0xc6: {  	_ =	swait.ge [sflag:s29], $0x1  }
0xc7: {  	[sflag:s29] =	ssyncadd.s32 $0xFFFFFFFF  }
0xc8: {  	_ =	strace $0x9000004B  }
0xc9: {  	_ =	sfence  }
0xca: {  	s30 =	sld [smem:$0x0];
	_ =	sdelay $0x2  }
0xcb: {  	s31 =	sshll.u32 s1, $0xD;
	s1 =	sshrl.u32 s1, $0x2  }
0xcc: {  	s4 =	sand.u32 $0x4000, s31;
	s1 =	sadd.s32 s1, s30  }
0xcd: {  	s0 =	sor.u32 s4, s0;
	s1 =	sshll.u32 s1, $0x11  }
0xce: {  	s0 =	sor.u32 s1, s0  }
0xcf: {  	s0 =	sadd.s32 $0x8F2B, s0  }
0xd0: {  	[sflag:s0] =	ssyncadd.remote.s32 $0x1  }
0xd1: {  	_ =	sfence.sel $0xFFFF  }
0xd2: {  	[dreg:$0x0] =	wrdreg $0xFFFFFFFF;
	(pc) =	sbr.abs _section_cstart, $3  }
0xd3: {  	[dreg:$0x1] =	wrdreg $0xFFFFFFFF  }
0xd4: {  	_ =	task.clear_ibuf [dreg:s22], $0x2FFFF;
	_ =	strace $0x9FFFFFFF  }
0xd5: {  	(tm) =	ssettm $0x7FFFFFFF  }
tec
execute0_lowered:
.L_overlay_start_1:
0x0: {  	(tag) =	ssettag $0x1  }
0x1: {  	s10 =	rddreg [dreg:$0x0]  }
0x2: {  	s1 =	rddreg [dreg:$0x1];
	s2 =	srdreg.scid  }
0x3: {  	s4 =	rddreg [dreg:$0x2];
	s0 =	stileid.u32;
	s11 =	sand.u32 $0x1, s2  }
0x4: {  	s12 =	rddreg [dreg:$0x3];
	s5 =	sshll.u32 s0, $0x8;
	s6 =	sshll.u32 s11, $0x7  }
0x5: {  	s3 =	simm.s32 $0x0;
	s2 =	rddreg [dreg:$0x4];
	s13 =	sor.u32 s6, s5  }
0x6: {  	[smem:$0x7FF] =	sst s3;
	s14 =	sshrl.u32 s13, $0x3  }
0x7: {  	_ =	strace $0x8000004A;
	s5 =	sadd.s32 s4, s14;
	s4 =	simm.s32 $0x2  }
0x8: {  	[tilespmem:s3], [sflag:$0x2] =	stream.linear.gather [hbm4b:s5+s3], $0x80, $0x38;
	[tilespmem:$0x1100] =	vst v63  }
0x9: {  	_ =	swait.ge [sflag:s4], $0x80  }
0xa: {  	[sflag:s4] =	ssyncset.done $0x0  }
0xb: {  	s7 =	simm.s32 $0x80;
	s6 =	sadd.s32 $0x5C00, s10;
	[sflag:s4] =	ssyncadd.s32 $0xFFFFFF80  }
0xc: {  	[tilespmem:s7], [sflag:$0x1] =	stream.indirect.gather [hbm4b:s6+s7], $0x20, s3, s7, $0xb8;
	[tilespmem:$0x1100] =	vst v63  }
0xd: {  	s8 =	simm.s32 $0x1080;
	s9 =	simm.s32 $0x1  }
0xe: {  	[tilespmem:s8], [sflag:$0x1] =	stream.indirect.gather [hbm4b:s1+s7], $0x1, s3, s7, $0xb8;
	[tilespmem:$0x1100] =	vst v63  }
0xf: {  	_ =	swait.ge [sflag:s9], $0x1000  }
0x10: {  	[sflag:s9] =	ssyncset.done $0x0  }
0x11: {  	s11 =	ssub.s32 $0x2, s11;
	[sflag:s9] =	ssyncadd.s32 $0xFFFFF000  }
0x12: {  	s30 =	sshrl.u32 s11, $0x1;
	s13 =	sshll.u32 s13, $0x2;
	_ =	swait.ge [sflag:s9], $0x80  }
0x13: {  	s10 =	sadd.s32 s13, s10;
	s13 =	ssub.s32 s11, s30;
	[sflag:s9] =	ssyncset.done $0x0  }
0x14: {  	s10 =	sadd.s32 $0x67800, s10;
	s31 =	smax.u32 s13, $0x1;
	[sflag:s9] =	ssyncadd.s32 $0xFFFFFF80  }
0x15: {  	[hbm4b:s10+s3] =	stream.linear.scatter [tilespmem:s7], [sflag:$0x2], $0x1000, $0x38;
	[tilespmem:$0x1100] =	vst v63  }
0x16: {  	p0 =	sne.s32 s31, $0x1;
	_ =	swait.ge [sflag:s4], $0x1000  }
.Ltmp0:
0x17: {  	[sflag:s4] =	ssyncset.done $0x0;
	(pc) =	sbr.rel @!p0 .LBB2_2-.Ltmp0, $4  }
0x18: {  	s11 =	sadd.s32 s12, s14;
	[sflag:s4] =	ssyncadd.s32 $0xFFFFF000  }
0x19: {  	[hbm4b:s11+s3] =	stream.linear.scatter [tilespmem:s8], [sflag:$0x2], $0x80, $0x38;
	[tilespmem:$0x1100] =	vst v63  }
0x1a: {  	_ =	swait.ge [sflag:s4], $0x80  }
0x1b: {  	s12 =	sadd.s32 $0xFFFFFFFF, s31;
	[sflag:s4] =	ssyncset.done $0x0  }
.LBB2_1:
0x1c: {  	p0 =	sne.s32 s12, $0x1;
	s12 =	sadd.s32 $0xFFFFFFFF, s12;
	[sflag:s4] =	ssyncadd.s32 $0xFFFFFF80  }
0x1d: {  	[tilespmem:s3], [sflag:$0x2] =	stream.linear.gather [hbm4b:s5+s3], $0x80, $0x38;
	[tilespmem:$0x1100] =	vst v63  }
0x1e: {  	_ =	swait.ge [sflag:s4], $0x80  }
0x1f: {  	[sflag:s4] =	ssyncset.done $0x0  }
0x20: {  	[sflag:s4] =	ssyncadd.s32 $0xFFFFFF80  }
0x21: {  	[tilespmem:s7], [sflag:$0x1] =	stream.indirect.gather [hbm4b:s6+s7], $0x20, s3, s7, $0xb8;
	[tilespmem:$0x1100] =	vst v63  }
0x22: {  	_ = 	snop  }
0x23: {  	[tilespmem:s8], [sflag:$0x1] =	stream.indirect.gather [hbm4b:s1+s7], $0x1, s3, s7, $0xb8;
	[tilespmem:$0x1100] =	vst v63  }
0x24: {  	_ =	swait.ge [sflag:s9], $0x1000  }
0x25: {  	[sflag:s9] =	ssyncset.done $0x0  }
0x26: {  	[sflag:s9] =	ssyncadd.s32 $0xFFFFF000  }
0x27: {  	_ =	swait.ge [sflag:s9], $0x80  }
0x28: {  	[sflag:s9] =	ssyncset.done $0x0  }
0x29: {  	[sflag:s9] =	ssyncadd.s32 $0xFFFFFF80  }
0x2a: {  	[hbm4b:s10+s3] =	stream.linear.scatter [tilespmem:s7], [sflag:$0x2], $0x1000, $0x38;
	[tilespmem:$0x1100] =	vst v63  }
0x2b: {  	_ =	swait.ge [sflag:s4], $0x1000  }
.Ltmp1:
0x2c: {  	[sflag:s4] =	ssyncset.done $0x0;
	(pc) =	sbr.rel @p0 .LBB2_1-.Ltmp1, $4  }
0x2d: {  	[sflag:s4] =	ssyncadd.s32 $0xFFFFF000  }
0x2e: {  	[hbm4b:s11+s3] =	stream.linear.scatter [tilespmem:s8], [sflag:$0x2], $0x80, $0x38;
	[tilespmem:$0x1100] =	vst v63  }
0x2f: {  	_ =	swait.ge [sflag:s4], $0x80  }
0x30: {  	[sflag:s4] =	ssyncset.done $0x0  }
.LBB2_2:
0x31: {  	[sflag:s4] =	ssyncadd.s32 $0xFFFFFF80  }
0x32: {  	_ =	sfence.sel $0x180000  }
0x33: {  	[bflag:$0x0] =	sbarrier.arrive $0xFFFF  }
0x34: {  	p0 =	sne.s32 s0, $0x0;
	_ =	strace $0x9000004A  }
0x35: {  	s0 =	sadd.s32 @!p0 $0x100000, s2;
	[bflag:$0x2] =	sbarrier.arrive $0xFFFF  }
0x36: {  	[sflag:s0] =	ssyncadd.tile.s32 @!p0 $0x1;
	_ =	shalt  }
.Lfunc_end2:
_tile_overlayer_lowered:
.L_overlay_start_2:
0x37: {  	(tag) =	ssettag $0x2  }
0x38: {  	s0 =	rddreg [dreg:$0x0];
	s2 =	stileid.u32  }
0x39: {  	s1 =	rddreg [dreg:$0x1];
	p0 =	sne.s32 s2, $0x0  }
0x3a: {  	s3 =	rddreg [dreg:$0x2];
	[bflag:$0x3] =	sbarrier.arrive $0xFFFF;
	s2 =	simm.s32 @!p0 $0x1C02  }
0x3b: {  	[timem:s3], [sflag:s2] =	dma.local @!p0 [hbm:s0], s1  }
0x3c: {  	s0 =	simm.s32 @!p0 $0x2  }
0x3d: {  	_ =	swait.ge @!p0 [sflag:s0], s1  }
0x3e: {  	s1 =	ssub.s32 @!p0 $0x0, s1;
	[sflag:s0] =	ssyncset.done @!p0 $0x0  }
0x3f: {  	[sflag:s0] =	ssyncadd.s32 @!p0 s1  }
0x40: {  	[bflag:$0x3] =	sbarrier.arrive $0xFFFF  }
0x41: {  	_ =	shalt  }

</sc_bundles>
